<compile_context>
chip_gen: v7x
topology: tpu7x:2x2x1
jax: 0.10.2.dev20260603
libtpu: 0.0.44.dev20260713+nightly
codegen_flags: <defaults>
</compile_context>

<pallas_src>
import jax
import jax.numpy as jnp
from jax import lax
from jax.experimental import pallas as pl
from jax.experimental.pallas import tpu as pltpu
from jax.experimental.pallas import tpu_sc as plsc

N = 16384
NNZ = 262144
NC = 2
NT = 16
SL = N // NT
CH = NNZ // (NC * NT)
NCH = 2
CW = CH // NCH
L = 16


def _body(pred_h, vidx_h, cidx_h, coeff_h, lb_h, ub_h,
          out_h,
          sl_a, sl_b, sl_c, vals_sl,
          values_v, vi_v, ci0_v, ci1_v, co_v, g0_v, g1_v,
          sem_vi, sem_co, sem_ci, sem_p, sem_lb, sem_ub, sem_sc,
          values_sh, ax_sh):
    ci_refs = (ci0_v, ci1_v)
    g_refs = (g0_v, g1_v)
    cid = lax.axis_index("c")
    tid = lax.axis_index("s")
    base = tid * SL
    cbase = (cid * NT + tid) * CH

    cp_vi = pltpu.async_copy(vidx_h.at[pl.ds(cbase, CH)], vi_v, sem_vi)
    cp_co = pltpu.async_copy(coeff_h.at[pl.ds(cbase, CH)], co_v, sem_co)
    cp_ci = [pltpu.async_copy(cidx_h.at[pl.ds(cbase + k * CW, CW)],
                              ci_refs[k], sem_ci) for k in range(NCH)]
    cp_p = pltpu.async_copy(pred_h.at[pl.ds(base, SL)], sl_a, sem_p)
    cp_lb = pltpu.async_copy(lb_h.at[pl.ds(base, SL)], sl_b, sem_lb)
    cp_ub = pltpu.async_copy(ub_h.at[pl.ds(base, SL)], sl_c, sem_ub)

    cp_p.wait()
    cp_lb.wait()
    cp_ub.wait()

    @plsc.parallel_loop(0, SL // L, 1, unroll=4)
    def p1(i):
        s = pl.ds(i * L, L)
        p, lo, hi = sl_a[s], sl_b[s], sl_c[s]
        vals_sl[s] = lo + p * (hi - lo)
        sl_a[s] = jnp.zeros((L,), jnp.float32)
    pltpu.sync_copy(vals_sl, values_sh.at[pl.ds(base, SL)])
    pltpu.sync_copy(sl_a, ax_sh.at[pl.ds(base, SL)])
    plsc.subcore_barrier()

    pltpu.sync_copy(values_sh, values_v)
    cp_vi.wait()
    cp_co.wait()
    for c in cp_ci:
        c.wait()

    scatters = []
    for k in range(NCH):
        gk = g_refs[k]

        @plsc.parallel_loop(0, CW // L, 1, unroll=4)
        def p2(i, k=k, gk=gk):
            s = pl.ds(i * L, L)
            f = pl.ds(k * CW + i * L, L)
            gk[s] = plsc.load_gather(values_v, [vi_v[f]]) * co_v[f]
        scatters.append(pltpu.async_copy(
            gk, ax_sh.at[ci_refs[k]], sem_sc, add=True))
    for d in scatters:
        d.wait()
    plsc.subcore_barrier()

    pltpu.sync_copy(ax_sh.at[pl.ds(base, SL)], out_h.at[cid, pl.ds(base, SL)])


_mesh = plsc.VectorSubcoreMesh(core_axis_name="c", subcore_axis_name="s")

_sc_call = pl.kernel(
    _body,
    out_type=jax.ShapeDtypeStruct((NC, N), jnp.float32),
    mesh=_mesh,
    compiler_params=pltpu.CompilerParams(needs_layout_passes=False),
    scratch_types=[
        pltpu.VMEM((SL,), jnp.float32),
        pltpu.VMEM((SL,), jnp.float32),
        pltpu.VMEM((SL,), jnp.float32),
        pltpu.VMEM((SL,), jnp.float32),
        pltpu.VMEM((N,), jnp.float32),
        pltpu.VMEM((CH,), jnp.int32),
        pltpu.VMEM((CW,), jnp.int32),
        pltpu.VMEM((CW,), jnp.int32),
        pltpu.VMEM((CH,), jnp.float32),
        pltpu.VMEM((CW,), jnp.float32),
        pltpu.VMEM((CW,), jnp.float32),
        pltpu.SemaphoreType.DMA,
        pltpu.SemaphoreType.DMA,
        pltpu.SemaphoreType.DMA,
        pltpu.SemaphoreType.DMA,
        pltpu.SemaphoreType.DMA,
        pltpu.SemaphoreType.DMA,
        pltpu.SemaphoreType.DMA,
        pltpu.VMEM_SHARED((N,), jnp.float32),
        pltpu.VMEM_SHARED((N,), jnp.float32),
    ],
)


def _fin_body(part_ref, rhs_ref, sen_ref, out_ref):
    ax = part_ref[0, :] + part_ref[1, :]
    d = ax - rhs_ref[...]
    sen = sen_ref[...]
    v = jnp.where(sen == 1, jnp.maximum(d, 0.0),
        jnp.where(sen == 2, jnp.maximum(-d, 0.0),
        jnp.where(sen == 3, jnp.abs(d),
                  jnp.zeros_like(d))))
    out_ref[...] = jnp.sum(v).reshape(1, 1)


_fin_call = pl.pallas_call(
    _fin_body,
    out_shape=jax.ShapeDtypeStruct((1, 1), jnp.float32),
)


def kernel(pred, constr_idx, var_idx, coeff, constr_rhs, constr_sense,
           n_vars, n_constrs, var_lb, var_ub):
    part = _sc_call(pred, var_idx.astype(jnp.int32),
                    constr_idx.astype(jnp.int32), coeff, var_lb, var_ub)
    tot = _fin_call(part, constr_rhs, constr_sense.astype(jnp.int32))
    return tot[0, 0] / n_constrs

# --- scband reference (transcript-rebuilt; emitter-appended) ---
"""Pipeline reference for scband-constraint-loss-45397804318777 (READ-ONLY COPY).

The authoritative reference and input builder live on the scoring server;
editing this copy changes nothing except your own understanding.
"""

import jax, jax.numpy as jnp
import numpy as np

N_VARS = 16384
N_CONSTRS = 16384
NNZ = 262144

def setup_inputs(seed: int = 0) -> dict:
    key = jax.random.key(seed)
    ks = jax.random.split(key, 8)
    pred = jax.random.uniform(ks[0], (N_VARS,), dtype=jnp.float32)
    constr_idx = jax.random.randint(ks[1], (NNZ,), 0, N_CONSTRS, dtype=jnp.int64 if jax.config.jax_enable_x64 else jnp.int32)
    var_idx = jax.random.randint(ks[2], (NNZ,), 0, N_VARS, dtype=jnp.int64 if jax.config.jax_enable_x64 else jnp.int32)
    coeff = jax.random.normal(ks[3], (NNZ,), dtype=jnp.float32)
    constr_rhs = jax.random.normal(ks[4], (N_CONSTRS,), dtype=jnp.float32)
    constr_sense = jax.random.randint(ks[5], (N_CONSTRS,), 0, 4, dtype=jnp.int64 if jax.config.jax_enable_x64 else jnp.int32)
    var_lb = jax.random.uniform(ks[6], (N_VARS,), dtype=jnp.float32)
    var_ub = jnp.ones((N_VARS,), dtype=jnp.float32)
    return {
        "pred": pred,
        "constr_idx": constr_idx,
        "var_idx": var_idx,
        "coeff": coeff,
        "constr_rhs": constr_rhs,
        "constr_sense": constr_sense,
        "n_vars": N_VARS,
        "n_constrs": N_CONSTRS,
        "var_lb": var_lb,
        "var_ub": var_ub,
    }

def _denormalize(pred, var_lb, var_ub):
    # min-max denormalization from [0,1] to [lb, ub]
    return var_lb + pred * (var_ub - var_lb)

def reference(pred, constr_idx, var_idx, coeff, constr_rhs, constr_sense, n_vars, n_constrs, var_lb, var_ub):
    values = _denormalize(pred, var_lb, var_ub)
    # ax[constr_idx] += coeff * values[var_idx]  (COO scatter-add, matches python loop)
    contrib = coeff * jnp.take(values, var_idx, axis=0)
    ax = jnp.zeros_like(constr_rhs).at[constr_idx].add(contrib)
    le_mask = constr_sense == 1
    ge_mask = constr_sense == 2
    eq_mask = constr_sense == 3
    violations = jnp.zeros_like(constr_rhs)
    violations = jnp.where(le_mask, jax.nn.relu(ax - constr_rhs), violations)
    violations = jnp.where(ge_mask, jax.nn.relu(constr_rhs - ax), violations)
    violations = jnp.where(eq_mask, jnp.abs(ax - constr_rhs), violations)
    # reduction == 'mean'
    return jnp.sum(violations) / n_constrs

if __name__ == "__main__":
    import jax
    _d = setup_inputs()
    print(jax.jit(kernel)(*tuple(_d.values())))

</pallas_src>

<mosaic_0001>
#map = affine_map<(d0, d1) -> (0)>
#map1 = affine_map<(d0, d1) -> (0, 0)>
module attributes {stable_mosaic.version = 14 : i64} {
  func.func @_body(%arg0: i32, %arg1: i32, %arg2: memref<16384xf32, #tpu.memory_space<hbm>>, %arg3: memref<262144xi32, #tpu.memory_space<hbm>>, %arg4: memref<262144xi32, #tpu.memory_space<hbm>>, %arg5: memref<262144xf32, #tpu.memory_space<hbm>>, %arg6: memref<16384xf32, #tpu.memory_space<hbm>>, %arg7: memref<16384xf32, #tpu.memory_space<hbm>>, %arg8: memref<2x16384xf32, #tpu.memory_space<hbm>>, %arg9: memref<1024xf32, #tpu.memory_space<vmem>>, %arg10: memref<1024xf32, #tpu.memory_space<vmem>>, %arg11: memref<1024xf32, #tpu.memory_space<vmem>>, %arg12: memref<1024xf32, #tpu.memory_space<vmem>>, %arg13: memref<16384xf32, #tpu.memory_space<vmem>>, %arg14: memref<8192xi32, #tpu.memory_space<vmem>>, %arg15: memref<4096xi32, #tpu.memory_space<vmem>>, %arg16: memref<4096xi32, #tpu.memory_space<vmem>>, %arg17: memref<8192xf32, #tpu.memory_space<vmem>>, %arg18: memref<4096xf32, #tpu.memory_space<vmem>>, %arg19: memref<4096xf32, #tpu.memory_space<vmem>>, %arg20: memref<!tpu.dma_semaphore, #tpu.memory_space<semaphore_mem>>, %arg21: memref<!tpu.dma_semaphore, #tpu.memory_space<semaphore_mem>>, %arg22: memref<!tpu.dma_semaphore, #tpu.memory_space<semaphore_mem>>, %arg23: memref<!tpu.dma_semaphore, #tpu.memory_space<semaphore_mem>>, %arg24: memref<!tpu.dma_semaphore, #tpu.memory_space<semaphore_mem>>, %arg25: memref<!tpu.dma_semaphore, #tpu.memory_space<semaphore_mem>>, %arg26: memref<!tpu.dma_semaphore, #tpu.memory_space<semaphore_mem>>, %arg27: memref<16384xf32, #tpu.memory_space<vmem_shared>>, %arg28: memref<16384xf32, #tpu.memory_space<vmem_shared>>) attributes {dimension_semantics = [#tpu.dimension_semantics<core_parallel>, #tpu.dimension_semantics<subcore_parallel>], iteration_bounds = array<i64: 2, 16>, scalar_prefetch = 0 : i64, scratch_operands = 20 : i64, tpu.core_type = #tpu.core_type<sc_vector_subcore>, window_params = [{transform_indices = #map}, {transform_indices = #map}, {transform_indices = #map}, {transform_indices = #map}, {transform_indices = #map}, {transform_indices = #map}, {transform_indices = #map1}]} {
    %mul3A = arith.constant 1024 : i32
    %mul3A_0 = arith.muli %arg1, %mul3A : i32
    %mul3A_1 = arith.constant 16 : i32
    %mul3A_2 = arith.muli %arg0, %mul3A_1 : i32
    %add3A = arith.addi %mul3A_2, %arg1 : i32
    %mul3A_3 = arith.constant 8192 : i32
    %mul3A_4 = arith.muli %add3A, %mul3A_3 : i32
    %dma_start3A = tpu.memref_slice %arg3[%mul3A_4] : memref<262144xi32, #tpu.memory_space<hbm>> -> memref<8192xi32, #tpu.memory_space<hbm>>
    %dma_start3A_5 = tpu.memref_slice %arg3[%mul3A_4] : memref<262144xi32, #tpu.memory_space<hbm>> -> memref<8192xi32, #tpu.memory_space<hbm>>
    tpu.enqueue_dma source(%dma_start3A_5 : memref<8192xi32, #tpu.memory_space<hbm>>) target(%arg14 : memref<8192xi32, #tpu.memory_space<vmem>>) target_semaphore(%arg20 : memref<!tpu.dma_semaphore, #tpu.memory_space<semaphore_mem>>)
    %dma_start3A_6 = tpu.memref_slice %arg5[%mul3A_4] : memref<262144xf32, #tpu.memory_space<hbm>> -> memref<8192xf32, #tpu.memory_space<hbm>>
    %dma_start3A_7 = tpu.memref_slice %arg5[%mul3A_4] : memref<262144xf32, #tpu.memory_space<hbm>> -> memref<8192xf32, #tpu.memory_space<hbm>>
    tpu.enqueue_dma source(%dma_start3A_7 : memref<8192xf32, #tpu.memory_space<hbm>>) target(%arg17 : memref<8192xf32, #tpu.memory_space<vmem>>) target_semaphore(%arg21 : memref<!tpu.dma_semaphore, #tpu.memory_space<semaphore_mem>>)
    %add3A_8 = arith.constant 0 : i32
    %add3A_9 = arith.addi %mul3A_4, %add3A_8 : i32
    %dma_start3A_10 = tpu.memref_slice %arg4[%add3A_9] : memref<262144xi32, #tpu.memory_space<hbm>> -> memref<4096xi32, #tpu.memory_space<hbm>>
    %dma_start3A_11 = tpu.memref_slice %arg4[%add3A_9] : memref<262144xi32, #tpu.memory_space<hbm>> -> memref<4096xi32, #tpu.memory_space<hbm>>
    tpu.enqueue_dma source(%dma_start3A_11 : memref<4096xi32, #tpu.memory_space<hbm>>) target(%arg15 : memref<4096xi32, #tpu.memory_space<vmem>>) target_semaphore(%arg22 : memref<!tpu.dma_semaphore, #tpu.memory_space<semaphore_mem>>)
    %add3A_12 = arith.constant 4096 : i32
    %add3A_13 = arith.addi %mul3A_4, %add3A_12 : i32
    %dma_start3A_14 = tpu.memref_slice %arg4[%add3A_13] : memref<262144xi32, #tpu.memory_space<hbm>> -> memref<4096xi32, #tpu.memory_space<hbm>>
    %dma_start3A_15 = tpu.memref_slice %arg4[%add3A_13] : memref<262144xi32, #tpu.memory_space<hbm>> -> memref<4096xi32, #tpu.memory_space<hbm>>
    tpu.enqueue_dma source(%dma_start3A_15 : memref<4096xi32, #tpu.memory_space<hbm>>) target(%arg16 : memref<4096xi32, #tpu.memory_space<vmem>>) target_semaphore(%arg22 : memref<!tpu.dma_semaphore, #tpu.memory_space<semaphore_mem>>)
    %dma_start3A_16 = tpu.memref_slice %arg2[%mul3A_0] : memref<16384xf32, #tpu.memory_space<hbm>> -> memref<1024xf32, #tpu.memory_space<hbm>>
    %dma_start3A_17 = tpu.memref_slice %arg2[%mul3A_0] : memref<16384xf32, #tpu.memory_space<hbm>> -> memref<1024xf32, #tpu.memory_space<hbm>>
    tpu.enqueue_dma source(%dma_start3A_17 : memref<1024xf32, #tpu.memory_space<hbm>>) target(%arg9 : memref<1024xf32, #tpu.memory_space<vmem>>) target_semaphore(%arg23 : memref<!tpu.dma_semaphore, #tpu.memory_space<semaphore_mem>>)
    %dma_start3A_18 = tpu.memref_slice %arg6[%mul3A_0] : memref<16384xf32, #tpu.memory_space<hbm>> -> memref<1024xf32, #tpu.memory_space<hbm>>
    %dma_start3A_19 = tpu.memref_slice %arg6[%mul3A_0] : memref<16384xf32, #tpu.memory_space<hbm>> -> memref<1024xf32, #tpu.memory_space<hbm>>
    tpu.enqueue_dma source(%dma_start3A_19 : memref<1024xf32, #tpu.memory_space<hbm>>) target(%arg10 : memref<1024xf32, #tpu.memory_space<vmem>>) target_semaphore(%arg24 : memref<!tpu.dma_semaphore, #tpu.memory_space<semaphore_mem>>)
    %dma_start3A_20 = tpu.memref_slice %arg7[%mul3A_0] : memref<16384xf32, #tpu.memory_space<hbm>> -> memref<1024xf32, #tpu.memory_space<hbm>>
    %dma_start3A_21 = tpu.memref_slice %arg7[%mul3A_0] : memref<16384xf32, #tpu.memory_space<hbm>> -> memref<1024xf32, #tpu.memory_space<hbm>>
    tpu.enqueue_dma source(%dma_start3A_21 : memref<1024xf32, #tpu.memory_space<hbm>>) target(%arg11 : memref<1024xf32, #tpu.memory_space<vmem>>) target_semaphore(%arg25 : memref<!tpu.dma_semaphore, #tpu.memory_space<semaphore_mem>>)
    %dma_wait3A = tpu.memref_slice %arg2[%mul3A_0] : memref<16384xf32, #tpu.memory_space<hbm>> -> memref<1024xf32, #tpu.memory_space<hbm>>
    %dma_wait3A_22 = tpu.memref_slice %arg2[%mul3A_0] : memref<16384xf32, #tpu.memory_space<hbm>> -> memref<1024xf32, #tpu.memory_space<hbm>>
    tpu.wait_dma2 semaphore(%arg23 : memref<!tpu.dma_semaphore, #tpu.memory_space<semaphore_mem>>) src(%dma_wait3A_22 : memref<1024xf32, #tpu.memory_space<hbm>>) dst(%arg9 : memref<1024xf32, #tpu.memory_space<vmem>>)
    %dma_wait3A_23 = tpu.memref_slice %arg6[%mul3A_0] : memref<16384xf32, #tpu.memory_space<hbm>> -> memref<1024xf32, #tpu.memory_space<hbm>>
    %dma_wait3A_24 = tpu.memref_slice %arg6[%mul3A_0] : memref<16384xf32, #tpu.memory_space<hbm>> -> memref<1024xf32, #tpu.memory_space<hbm>>
    tpu.wait_dma2 semaphore(%arg24 : memref<!tpu.dma_semaphore, #tpu.memory_space<semaphore_mem>>) src(%dma_wait3A_24 : memref<1024xf32, #tpu.memory_space<hbm>>) dst(%arg10 : memref<1024xf32, #tpu.memory_space<vmem>>)
    %dma_wait3A_25 = tpu.memref_slice %arg7[%mul3A_0] : memref<16384xf32, #tpu.memory_space<hbm>> -> memref<1024xf32, #tpu.memory_space<hbm>>
    %dma_wait3A_26 = tpu.memref_slice %arg7[%mul3A_0] : memref<16384xf32, #tpu.memory_space<hbm>> -> memref<1024xf32, #tpu.memory_space<hbm>>
    tpu.wait_dma2 semaphore(%arg25 : memref<!tpu.dma_semaphore, #tpu.memory_space<semaphore_mem>>) src(%dma_wait3A_26 : memref<1024xf32, #tpu.memory_space<hbm>>) dst(%arg11 : memref<1024xf32, #tpu.memory_space<vmem>>)
    %parallel_loop3A = arith.constant 0 : i32
    %parallel_loop3A_27 = arith.constant 64 : i32
    %parallel_loop3A_28 = arith.constant 1 : i32
    scf.for %parallel_loop3A_52 = %parallel_loop3A to %parallel_loop3A_27 step %parallel_loop3A_28  : i32 {
      %parallel_loop3A_53 = arith.constant 16 : i32
      %parallel_loop3A_54 = arith.muli %parallel_loop3A_52, %parallel_loop3A_53 : i32
      %parallel_loop3A_55 = arith.index_cast %parallel_loop3A_54 : i32 to index
      %parallel_loop3A_56 = tpu.vector_load %arg9[%parallel_loop3A_55] {strides = array<i32>} : memref<1024xf32, #tpu.memory_space<vmem>>, vector<16xf32>,
      %parallel_loop3A_57 = arith.index_cast %parallel_loop3A_54 : i32 to index
      %parallel_loop3A_58 = tpu.vector_load %arg10[%parallel_loop3A_57] {strides = array<i32>} : memref<1024xf32, #tpu.memory_space<vmem>>, vector<16xf32>,
      %parallel_loop3A_59 = arith.index_cast %parallel_loop3A_54 : i32 to index
      %parallel_loop3A_60 = tpu.vector_load %arg11[%parallel_loop3A_59] {strides = array<i32>} : memref<1024xf32, #tpu.memory_space<vmem>>, vector<16xf32>,
      %parallel_loop3A_61 = arith.subf %parallel_loop3A_60, %parallel_loop3A_58 : vector<16xf32>
      %parallel_loop3A_62 = arith.mulf %parallel_loop3A_56, %parallel_loop3A_61 : vector<16xf32>
      %parallel_loop3A_63 = arith.addf %parallel_loop3A_58, %parallel_loop3A_62 : vector<16xf32>
      %parallel_loop3A_64 = arith.index_cast %parallel_loop3A_54 : i32 to index
      %parallel_loop3A_65 = tpu.vector_load %arg12[%parallel_loop3A_64] {strides = array<i32>} : memref<1024xf32, #tpu.memory_space<vmem>>, vector<16xf32>,
      tpu.vector_store %arg12[%parallel_loop3A_64], %parallel_loop3A_63 {strides = array<i32>} : memref<1024xf32, #tpu.memory_space<vmem>>, vector<16xf32>,
      %parallel_loop3A_66 = arith.constant 0.000000e+00 : f32
      %parallel_loop3A_67 = vector.broadcast %parallel_loop3A_66 : f32 to vector<16xf32>
      %parallel_loop3A_68 = arith.index_cast %parallel_loop3A_54 : i32 to index
      %parallel_loop3A_69 = tpu.vector_load %arg9[%parallel_loop3A_68] {strides = array<i32>} : memref<1024xf32, #tpu.memory_space<vmem>>, vector<16xf32>,
      tpu.vector_store %arg9[%parallel_loop3A_68], %parallel_loop3A_67 {strides = array<i32>} : memref<1024xf32, #tpu.memory_space<vmem>>, vector<16xf32>,
    } {sc.loop_unroll_factor = 4 : i64, sc.parallel_access}
    "tpu.region"() ({
      %run_scoped3A = tpu.sem_alloc : memref<!tpu.dma_semaphore, #tpu.memory_space<semaphore_mem>>
      %dma_start3A_52 = tpu.memref_slice %arg27[%mul3A_0] : memref<16384xf32, #tpu.memory_space<vmem_shared>> -> memref<1024xf32, #tpu.memory_space<vmem_shared>>
      %dma_start3A_53 = tpu.memref_slice %arg27[%mul3A_0] : memref<16384xf32, #tpu.memory_space<vmem_shared>> -> memref<1024xf32, #tpu.memory_space<vmem_shared>>
      tpu.enqueue_dma source(%arg12 : memref<1024xf32, #tpu.memory_space<vmem>>) target(%dma_start3A_53 : memref<1024xf32, #tpu.memory_space<vmem_shared>>) target_semaphore(%run_scoped3A : memref<!tpu.dma_semaphore, #tpu.memory_space<semaphore_mem>>)
      %dma_wait3A_54 = tpu.memref_slice %arg27[%mul3A_0] : memref<16384xf32, #tpu.memory_space<vmem_shared>> -> memref<1024xf32, #tpu.memory_space<vmem_shared>>
      %dma_wait3A_55 = tpu.memref_slice %arg27[%mul3A_0] : memref<16384xf32, #tpu.memory_space<vmem_shared>> -> memref<1024xf32, #tpu.memory_space<vmem_shared>>
      tpu.wait_dma2 semaphore(%run_scoped3A : memref<!tpu.dma_semaphore, #tpu.memory_space<semaphore_mem>>) src(%arg12 : memref<1024xf32, #tpu.memory_space<vmem>>) dst(%dma_wait3A_55 : memref<1024xf32, #tpu.memory_space<vmem_shared>>)
      tpu.yield
    }) : () -> ()
    "tpu.region"() ({
      %run_scoped3A = tpu.sem_alloc : memref<!tpu.dma_semaphore, #tpu.memory_space<semaphore_mem>>
      %dma_start3A_52 = tpu.memref_slice %arg28[%mul3A_0] : memref<16384xf32, #tpu.memory_space<vmem_shared>> -> memref<1024xf32, #tpu.memory_space<vmem_shared>>
      %dma_start3A_53 = tpu.memref_slice %arg28[%mul3A_0] : memref<16384xf32, #tpu.memory_space<vmem_shared>> -> memref<1024xf32, #tpu.memory_space<vmem_shared>>
      tpu.enqueue_dma source(%arg9 : memref<1024xf32, #tpu.memory_space<vmem>>) target(%dma_start3A_53 : memref<1024xf32, #tpu.memory_space<vmem_shared>>) target_semaphore(%run_scoped3A : memref<!tpu.dma_semaphore, #tpu.memory_space<semaphore_mem>>)
      %dma_wait3A_54 = tpu.memref_slice %arg28[%mul3A_0] : memref<16384xf32, #tpu.memory_space<vmem_shared>> -> memref<1024xf32, #tpu.memory_space<vmem_shared>>
      %dma_wait3A_55 = tpu.memref_slice %arg28[%mul3A_0] : memref<16384xf32, #tpu.memory_space<vmem_shared>> -> memref<1024xf32, #tpu.memory_space<vmem_shared>>
      tpu.wait_dma2 semaphore(%run_scoped3A : memref<!tpu.dma_semaphore, #tpu.memory_space<semaphore_mem>>) src(%arg9 : memref<1024xf32, #tpu.memory_space<vmem>>) dst(%dma_wait3A_55 : memref<1024xf32, #tpu.memory_space<vmem_shared>>)
      tpu.yield
    }) : () -> ()
    %barrier3A = arith.constant 0 : index
    tpu.barrier barrier_id(%barrier3A)
    "tpu.region"() ({
      %run_scoped3A = tpu.sem_alloc : memref<!tpu.dma_semaphore, #tpu.memory_space<semaphore_mem>>
      tpu.enqueue_dma source(%arg27 : memref<16384xf32, #tpu.memory_space<vmem_shared>>) target(%arg13 : memref<16384xf32, #tpu.memory_space<vmem>>) target_semaphore(%run_scoped3A : memref<!tpu.dma_semaphore, #tpu.memory_space<semaphore_mem>>)
      tpu.wait_dma2 semaphore(%run_scoped3A : memref<!tpu.dma_semaphore, #tpu.memory_space<semaphore_mem>>) src(%arg27 : memref<16384xf32, #tpu.memory_space<vmem_shared>>) dst(%arg13 : memref<16384xf32, #tpu.memory_space<vmem>>)
      tpu.yield
    }) : () -> ()
    %dma_wait3A_29 = tpu.memref_slice %arg3[%mul3A_4] : memref<262144xi32, #tpu.memory_space<hbm>> -> memref<8192xi32, #tpu.memory_space<hbm>>
    %dma_wait3A_30 = tpu.memref_slice %arg3[%mul3A_4] : memref<262144xi32, #tpu.memory_space<hbm>> -> memref<8192xi32, #tpu.memory_space<hbm>>
    tpu.wait_dma2 semaphore(%arg20 : memref<!tpu.dma_semaphore, #tpu.memory_space<semaphore_mem>>) src(%dma_wait3A_30 : memref<8192xi32, #tpu.memory_space<hbm>>) dst(%arg14 : memref<8192xi32, #tpu.memory_space<vmem>>)
    %dma_wait3A_31 = tpu.memref_slice %arg5[%mul3A_4] : memref<262144xf32, #tpu.memory_space<hbm>> -> memref<8192xf32, #tpu.memory_space<hbm>>
    %dma_wait3A_32 = tpu.memref_slice %arg5[%mul3A_4] : memref<262144xf32, #tpu.memory_space<hbm>> -> memref<8192xf32, #tpu.memory_space<hbm>>
    tpu.wait_dma2 semaphore(%arg21 : memref<!tpu.dma_semaphore, #tpu.memory_space<semaphore_mem>>) src(%dma_wait3A_32 : memref<8192xf32, #tpu.memory_space<hbm>>) dst(%arg17 : memref<8192xf32, #tpu.memory_space<vmem>>)
    %dma_wait3A_33 = tpu.memref_slice %arg4[%add3A_9] : memref<262144xi32, #tpu.memory_space<hbm>> -> memref<4096xi32, #tpu.memory_space<hbm>>
    %dma_wait3A_34 = tpu.memref_slice %arg4[%add3A_9] : memref<262144xi32, #tpu.memory_space<hbm>> -> memref<4096xi32, #tpu.memory_space<hbm>>
    tpu.wait_dma2 semaphore(%arg22 : memref<!tpu.dma_semaphore, #tpu.memory_space<semaphore_mem>>) src(%dma_wait3A_34 : memref<4096xi32, #tpu.memory_space<hbm>>) dst(%arg15 : memref<4096xi32, #tpu.memory_space<vmem>>)
    %dma_wait3A_35 = tpu.memref_slice %arg4[%add3A_13] : memref<262144xi32, #tpu.memory_space<hbm>> -> memref<4096xi32, #tpu.memory_space<hbm>>
    %dma_wait3A_36 = tpu.memref_slice %arg4[%add3A_13] : memref<262144xi32, #tpu.memory_space<hbm>> -> memref<4096xi32, #tpu.memory_space<hbm>>
    tpu.wait_dma2 semaphore(%arg22 : memref<!tpu.dma_semaphore, #tpu.memory_space<semaphore_mem>>) src(%dma_wait3A_36 : memref<4096xi32, #tpu.memory_space<hbm>>) dst(%arg16 : memref<4096xi32, #tpu.memory_space<vmem>>)
    %parallel_loop3A_37 = arith.constant 0 : i32
    %parallel_loop3A_38 = arith.constant 256 : i32
    %parallel_loop3A_39 = arith.constant 1 : i32
    scf.for %parallel_loop3A_52 = %parallel_loop3A_37 to %parallel_loop3A_38 step %parallel_loop3A_39  : i32 {
      %parallel_loop3A_53 = arith.constant 16 : i32
      %parallel_loop3A_54 = arith.muli %parallel_loop3A_52, %parallel_loop3A_53 : i32
      %parallel_loop3A_55 = arith.constant 16 : i32
      %parallel_loop3A_56 = arith.muli %parallel_loop3A_52, %parallel_loop3A_55 : i32
      %parallel_loop3A_57 = arith.constant 0 : i32
      %parallel_loop3A_58 = arith.addi %parallel_loop3A_57, %parallel_loop3A_56 : i32
      %parallel_loop3A_59 = arith.index_cast %parallel_loop3A_58 : i32 to index
      %parallel_loop3A_60 = tpu.vector_load %arg14[%parallel_loop3A_59] {strides = array<i32>} : memref<8192xi32, #tpu.memory_space<vmem>>, vector<16xi32>,
      %parallel_loop3A_61 = tpu.vector_load_idx %arg13[%parallel_loop3A_60] : memref<16384xf32, #tpu.memory_space<vmem>>[vector<16xi32>], vector<16xf32>,
      %parallel_loop3A_62 = arith.index_cast %parallel_loop3A_58 : i32 to index
      %parallel_loop3A_63 = tpu.vector_load %arg17[%parallel_loop3A_62] {strides = array<i32>} : memref<8192xf32, #tpu.memory_space<vmem>>, vector<16xf32>,
      %parallel_loop3A_64 = arith.mulf %parallel_loop3A_61, %parallel_loop3A_63 : vector<16xf32>
      %parallel_loop3A_65 = arith.index_cast %parallel_loop3A_54 : i32 to index
      %parallel_loop3A_66 = tpu.vector_load %arg18[%parallel_loop3A_65] {strides = array<i32>} : memref<4096xf32, #tpu.memory_space<vmem>>, vector<16xf32>,
      tpu.vector_store %arg18[%parallel_loop3A_65], %parallel_loop3A_64 {strides = array<i32>} : memref<4096xf32, #tpu.memory_space<vmem>>, vector<16xf32>,
    } {sc.loop_unroll_factor = 4 : i64, sc.parallel_access}
    %dma_start3A_40 = arith.constant 0 : i32
    %dma_start3A_41 = tpu.memref_slice %arg28[%dma_start3A_40] : memref<16384xf32, #tpu.memory_space<vmem_shared>> -> memref<16384xf32, #tpu.memory_space<vmem_shared>>
    tpu.enqueue_indirect_dma source(%arg18 : memref<4096xf32, #tpu.memory_space<vmem>>) target(%dma_start3A_41 : memref<16384xf32, #tpu.memory_space<vmem_shared>>) offsets(%arg15 : memref<4096xi32, #tpu.memory_space<vmem>>) semaphore(%arg26 : memref<!tpu.dma_semaphore, #tpu.memory_space<semaphore_mem>>) {add = true}
    %parallel_loop3A_42 = arith.constant 0 : i32
    %parallel_loop3A_43 = arith.constant 256 : i32
    %parallel_loop3A_44 = arith.constant 1 : i32
    scf.for %parallel_loop3A_52 = %parallel_loop3A_42 to %parallel_loop3A_43 step %parallel_loop3A_44  : i32 {
      %parallel_loop3A_53 = arith.constant 16 : i32
      %parallel_loop3A_54 = arith.muli %parallel_loop3A_52, %parallel_loop3A_53 : i32
      %parallel_loop3A_55 = arith.constant 16 : i32
      %parallel_loop3A_56 = arith.muli %parallel_loop3A_52, %parallel_loop3A_55 : i32
      %parallel_loop3A_57 = arith.constant 4096 : i32
      %parallel_loop3A_58 = arith.addi %parallel_loop3A_57, %parallel_loop3A_56 : i32
      %parallel_loop3A_59 = arith.index_cast %parallel_loop3A_58 : i32 to index
      %parallel_loop3A_60 = tpu.vector_load %arg14[%parallel_loop3A_59] {strides = array<i32>} : memref<8192xi32, #tpu.memory_space<vmem>>, vector<16xi32>,
      %parallel_loop3A_61 = tpu.vector_load_idx %arg13[%parallel_loop3A_60] : memref<16384xf32, #tpu.memory_space<vmem>>[vector<16xi32>], vector<16xf32>,
      %parallel_loop3A_62 = arith.index_cast %parallel_loop3A_58 : i32 to index
      %parallel_loop3A_63 = tpu.vector_load %arg17[%parallel_loop3A_62] {strides = array<i32>} : memref<8192xf32, #tpu.memory_space<vmem>>, vector<16xf32>,
      %parallel_loop3A_64 = arith.mulf %parallel_loop3A_61, %parallel_loop3A_63 : vector<16xf32>
      %parallel_loop3A_65 = arith.index_cast %parallel_loop3A_54 : i32 to index
      %parallel_loop3A_66 = tpu.vector_load %arg19[%parallel_loop3A_65] {strides = array<i32>} : memref<4096xf32, #tpu.memory_space<vmem>>, vector<16xf32>,
      tpu.vector_store %arg19[%parallel_loop3A_65], %parallel_loop3A_64 {strides = array<i32>} : memref<4096xf32, #tpu.memory_space<vmem>>, vector<16xf32>,
    } {sc.loop_unroll_factor = 4 : i64, sc.parallel_access}
    %dma_start3A_45 = arith.constant 0 : i32
    %dma_start3A_46 = tpu.memref_slice %arg28[%dma_start3A_45] : memref<16384xf32, #tpu.memory_space<vmem_shared>> -> memref<16384xf32, #tpu.memory_space<vmem_shared>>
    tpu.enqueue_indirect_dma source(%arg19 : memref<4096xf32, #tpu.memory_space<vmem>>) target(%dma_start3A_46 : memref<16384xf32, #tpu.memory_space<vmem_shared>>) offsets(%arg16 : memref<4096xi32, #tpu.memory_space<vmem>>) semaphore(%arg26 : memref<!tpu.dma_semaphore, #tpu.memory_space<semaphore_mem>>) {add = true}
    %dma_wait3A_47 = arith.constant 0 : i32
    %dma_wait3A_48 = tpu.memref_slice %arg28[%dma_wait3A_47] : memref<16384xf32, #tpu.memory_space<vmem_shared>> -> memref<16384xf32, #tpu.memory_space<vmem_shared>>
    tpu.wait_indirect_dma semaphore(%arg26 : memref<!tpu.dma_semaphore, #tpu.memory_space<semaphore_mem>>) src(%arg18 : memref<4096xf32, #tpu.memory_space<vmem>>) dst(%dma_wait3A_48 : memref<16384xf32, #tpu.memory_space<vmem_shared>>)
    %dma_wait3A_49 = arith.constant 0 : i32
    %dma_wait3A_50 = tpu.memref_slice %arg28[%dma_wait3A_49] : memref<16384xf32, #tpu.memory_space<vmem_shared>> -> memref<16384xf32, #tpu.memory_space<vmem_shared>>
    tpu.wait_indirect_dma semaphore(%arg26 : memref<!tpu.dma_semaphore, #tpu.memory_space<semaphore_mem>>) src(%arg19 : memref<4096xf32, #tpu.memory_space<vmem>>) dst(%dma_wait3A_50 : memref<16384xf32, #tpu.memory_space<vmem_shared>>)
    %barrier3A_51 = arith.constant 0 : index
    tpu.barrier barrier_id(%barrier3A_51)
    "tpu.region"() ({
      %run_scoped3A = tpu.sem_alloc : memref<!tpu.dma_semaphore, #tpu.memory_space<semaphore_mem>>
      %dma_start3A_52 = tpu.memref_slice %arg8[%arg0, %mul3A_0] : memref<2x16384xf32, #tpu.memory_space<hbm>> -> memref<1x1024xf32, #tpu.memory_space<hbm>>
      %dma_start3A_53 = tpu.memref_squeeze %dma_start3A_52 : memref<1x1024xf32, #tpu.memory_space<hbm>> -> memref<1024xf32, #tpu.memory_space<hbm>>
      %dma_start3A_54 = tpu.memref_slice %arg28[%mul3A_0] : memref<16384xf32, #tpu.memory_space<vmem_shared>> -> memref<1024xf32, #tpu.memory_space<vmem_shared>>
      tpu.enqueue_dma source(%dma_start3A_54 : memref<1024xf32, #tpu.memory_space<vmem_shared>>) target(%dma_start3A_53 : memref<1024xf32, #tpu.memory_space<hbm>>) target_semaphore(%run_scoped3A : memref<!tpu.dma_semaphore, #tpu.memory_space<semaphore_mem>>)
      %dma_wait3A_55 = tpu.memref_slice %arg8[%arg0, %mul3A_0] : memref<2x16384xf32, #tpu.memory_space<hbm>> -> memref<1x1024xf32, #tpu.memory_space<hbm>>
      %dma_wait3A_56 = tpu.memref_squeeze %dma_wait3A_55 : memref<1x1024xf32, #tpu.memory_space<hbm>> -> memref<1024xf32, #tpu.memory_space<hbm>>
      %dma_wait3A_57 = tpu.memref_slice %arg28[%mul3A_0] : memref<16384xf32, #tpu.memory_space<vmem_shared>> -> memref<1024xf32, #tpu.memory_space<vmem_shared>>
      tpu.wait_dma2 semaphore(%run_scoped3A : memref<!tpu.dma_semaphore, #tpu.memory_space<semaphore_mem>>) src(%dma_wait3A_57 : memref<1024xf32, #tpu.memory_space<vmem_shared>>) dst(%dma_wait3A_56 : memref<1024xf32, #tpu.memory_space<hbm>>)
      tpu.yield
    }) : () -> ()
    return
  }
}

module attributes {stable_mosaic.version = 14 : i64} {
  func.func @_fin_body(%arg0: memref<2x16384xf32, #tpu.memory_space<vmem>>, %arg1: memref<16384xf32, #tpu.memory_space<vmem>>, %arg2: memref<16384xi32, #tpu.memory_space<vmem>>, %arg3: memref<1x1xf32, #tpu.memory_space<vmem>>) attributes {dimension_semantics = [], scalar_prefetch = 0 : i64, scratch_operands = 0 : i64, tpu.core_type = #tpu.core_type<tc>} {
    %get3A = arith.constant 0 : index
    %get3A_0 = arith.constant 0 : index
    %get3A_1 = vector.load %arg0[%get3A, %get3A_0] : memref<2x16384xf32, #tpu.memory_space<vmem>>, vector<1x16384xf32>
    %get3A_2 = vector.shape_cast %get3A_1 : vector<1x16384xf32> to vector<16384xf32>
    %get3A_3 = arith.constant 1 : index
    %get3A_4 = arith.constant 0 : index
    %get3A_5 = vector.load %arg0[%get3A_3, %get3A_4] : memref<2x16384xf32, #tpu.memory_space<vmem>>, vector<1x16384xf32>
    %get3A_6 = vector.shape_cast %get3A_5 : vector<1x16384xf32> to vector<16384xf32>
    %add3A = arith.addf %get3A_2, %get3A_6 : vector<16384xf32>
    %get3A_7 = arith.constant 0 : index
    %get3A_8 = vector.load %arg1[%get3A_7] : memref<16384xf32, #tpu.memory_space<vmem>>, vector<16384xf32>
    %sub3A = arith.subf %add3A, %get3A_8 : vector<16384xf32>
    %get3A_9 = arith.constant 0 : index
    %get3A_10 = vector.load %arg2[%get3A_9] : memref<16384xi32, #tpu.memory_space<vmem>>, vector<16384xi32>
    %eq3A = arith.constant 1 : i32
    %eq3A_11 = vector.broadcast %eq3A : i32 to vector<16384xi32>
    %eq3A_12 = arith.cmpi eq, %get3A_10, %eq3A_11 : vector<16384xi32>
    %max3A = arith.constant 0.000000e+00 : f32
    %max3A_13 = vector.broadcast %max3A : f32 to vector<16384xf32>
    %max3A_14 = arith.maximumf %sub3A, %max3A_13 : vector<16384xf32>
    %eq3A_15 = arith.constant 2 : i32
    %eq3A_16 = vector.broadcast %eq3A_15 : i32 to vector<16384xi32>
    %eq3A_17 = arith.cmpi eq, %get3A_10, %eq3A_16 : vector<16384xi32>
    %neg3A = arith.constant 0.000000e+00 : f32
    %neg3A_18 = vector.broadcast %neg3A : f32 to vector<16384xf32>
    %neg3A_19 = arith.subf %neg3A_18, %sub3A : vector<16384xf32>
    %max3A_20 = arith.constant 0.000000e+00 : f32
    %max3A_21 = vector.broadcast %max3A_20 : f32 to vector<16384xf32>
    %max3A_22 = arith.maximumf %neg3A_19, %max3A_21 : vector<16384xf32>
    %eq3A_23 = arith.constant 3 : i32
    %eq3A_24 = vector.broadcast %eq3A_23 : i32 to vector<16384xi32>
    %eq3A_25 = arith.cmpi eq, %get3A_10, %eq3A_24 : vector<16384xi32>
    %abs3A = math.absf %sub3A : vector<16384xf32>
    %broadcast_in_dim3A = arith.constant 0.000000e+00 : f32
    %broadcast_in_dim3A_26 = vector.broadcast %broadcast_in_dim3A : f32 to vector<16384xf32>
    %select_n3A = arith.select %eq3A_25, %abs3A, %broadcast_in_dim3A_26 : vector<16384xi1>, vector<16384xf32>
    %select_n3A_27 = arith.select %eq3A_17, %max3A_22, %select_n3A : vector<16384xi1>, vector<16384xf32>
    %select_n3A_28 = arith.select %eq3A_12, %max3A_14, %select_n3A_27 : vector<16384xi1>, vector<16384xf32>
    %reduce_sum3A = vector.shape_cast %select_n3A_28 : vector<16384xf32> to vector<1x16384xf32>
    %reduce_sum3A_29 = arith.constant dense<0.000000e+00> : vector<1xf32>
    %reduce_sum3A_30 = vector.multi_reduction <add>, %reduce_sum3A, %reduce_sum3A_29 [1] : vector<1x16384xf32> to vector<1xf32>
    %reduce_sum3A_31 = vector.shape_cast %reduce_sum3A_30 : vector<1xf32> to vector<1x1xf32>
    %reduce_sum3A_32 = vector.extract %reduce_sum3A_31[0, 0] : f32 from vector<1x1xf32>
    %reshape3A = vector.broadcast %reduce_sum3A_32 : f32 to vector<1x1xf32>
    %swap3A = arith.constant 0 : index
    %swap3A_33 = arith.constant 0 : index
    %swap3A_34 = vector.load %arg3[%swap3A, %swap3A_33] : memref<1x1xf32, #tpu.memory_space<vmem>>, vector<1x1xf32>
    tpu.vector_store %arg3[%swap3A, %swap3A_33], %reshape3A {strides = array<i32>} : memref<1x1xf32, #tpu.memory_space<vmem>>, vector<1x1xf32>,
    return
  }
}

</mosaic_0001>

<sc_bundles>
// kernel: kernel.4.cloned.1.call-start
scs
__scs_entry_jumppad:
0x0: {  	(pc) =	sbr.rel $0x88, $3  }
0x1: {  	(tag) =	ssettag $0x0;
	lr =	simm.s32 $0x1  }
0x2: {  	[smem:$0x3F98] =	sst lr;
	_ =	strace $0xD0000000  }
0x3: {  	_ = 	snop  }
0x4: {  	_ = 	snop  }
0x5: {  	_ = 	snop  }
0x6: {  	_ = 	snop  }
0x7: {  	_ = 	snop  }
__scs_overlays_trampoline_lowered:
0x8: {  	[smem:$0x3FA7] =	sst s0  }
0x9: {  	[smem:$0x3FA8] =	sst s1  }
0xa: {  	[smem:$0x3FA9] =	sst s2  }
0xb: {  	[smem:$0x3FAA] =	sst s3  }
0xc: {  	[smem:$0x3FAB] =	sst s4  }
0xd: {  	[smem:$0x3FAC] =	sst s5  }
0xe: {  	[smem:$0x3FAD] =	sst s6  }
0xf: {  	[smem:$0x3FAE] =	sst s7  }
0x10: {  	[smem:$0x3FAF] =	sst s8  }
0x11: {  	[smem:$0x3FB0] =	sst s9;
	s0 =	simm.s32 @!p0 $0x0  }
0x12: {  	s1 =	sld [smem:$0x3F96];
	s0 =	simm.s32 @p0 $0x1  }
0x13: {  	[smem:$0x3FB1] =	sst s0;
	s0 =	simm.s32 @!p1 $0x0  }
0x14: {  	s2 =	sld [smem:$0x3F95];
	s0 =	simm.s32 @p1 $0x1  }
0x15: {  	[smem:$0x3FB2] =	sst s0;
	s0 =	simm.s32 @!p2 $0x0  }
0x16: {  	s3 =	sld [smem:$0x3FDB];
	s0 =	simm.s32 @p2 $0x1  }
0x17: {  	s4 =	simm.s32 $0x1BF5;
	[smem:$0x3FB4] =	sst s0  }
0x18: {  	s0 =	sld [smem:$0x3F97];
	_ =	swait.ge [sflag:s4], $0x0  }
0x19: {  	s7 =	sld [smem:$0x3F98]  }
0x1a: {  	s8 =	sadd.s32 $0xFFFFE003, lr  }
0x1b: {  	s9 =	sadd.s32 $0xFFFFFEF7, lr;
	s5 =	simm.s32 $0xFFFFFFFF;
	p2 =	slt.u32 s8, $0xFFFFF086  }
0x1c: {  	p1 =	slt.u32 s9, $0xF7A;
	s5 =	simm.s32 @!p2 $0x0  }
0x1d: {  	s5 =	simm.s32 @p1 $0x1;
	p0 =	seq.s32 s7, s2  }
0x1e: {  	s7 =	smul.u32 @!p0 $0xF7A, s2;
	p2 =	seq.s32 @!p0 s5, $0x0  }
0x1f: {  	s9 =	smul.u32 $0xF7A, s1;
	s8 =	simm.s32 @!p0 $0x1BF5;
	p2 =	por !p2, p0  }
0x20: {  	[sflag:s8] =	ssyncset.s32 @!p0 $0xFFFFF086;
	s6 =	sadd.s32 @!p0 s3, s7;
	s7 =	simm.s32 @!p0 $0x108  }
0x21: {  	s3 =	sadd.s32 s3, s9;
	s6 =	sadd.s32 @!p0 $0x88, s6;
	s7 =	simm.s32 @p2 $0x1082  }
0x22: {  	[simem:s7], [sflag:s8] =	dma.local @!p0 [hbm:s6], $0xF7A  }
0x23: {  	s9 =	sor.u32 $0xD0000000, s2;
	s6 =	simm.s32 $0x108;
	_ =	swait.ge @!p0 [sflag:s8], $0x0  }
0x24: {  	s3 =	sadd.s32 $0x88, s3;
	s6 =	simm.s32 @!p1 $0x1082;
	[sflag:s4] =	ssyncset.s32 $0xFFFFF086  }
0x25: {  	[simem:s6], [sflag:s4] =	dma.local [hbm:s3], $0xF7A  }
0x26: {  	[smem:$0x3F98] =	sst s1;
	(tag) =	ssettag s2;
	_ =	strace s9  }
0x27: {  	s1 =	sld [smem:$0x3FA8]  }
0x28: {  	s2 =	sld [smem:$0x3FA9]  }
0x29: {  	s4 =	sld [smem:$0x3FAB]  }
0x2a: {  	p0 =	seq.s32 s5, $0x0;
	s5 =	sld [smem:$0x3FAC]  }
0x2b: {  	s6 =	sld [smem:$0x3FAD]  }
0x2c: {  	s7 =	sld [smem:$0x3FAE]  }
0x2d: {  	s3 =	simm.s32 $0x108;
	s8 =	sld [smem:$0x3FAF]  }
0x2e: {  	s3 =	simm.s32 @!p0 $0x1082;
	s9 =	sld [smem:$0x3FB0]  }
0x2f: {  	lr =	sadd.s32 s0, s3;
	s0 =	sld [smem:$0x3FA7]  }
0x30: {  	s3 =	sld [smem:$0x3FAA]  }
0x31: {  	[smem:$0x3FB3] =	sst s10  }
0x32: {  	s10 =	sld [smem:$0x3FB1];
	_ =	sdelay $0x3  }
0x33: {  	p0 =	seq.s32 s10, $0x1;
	s10 =	sld [smem:$0x3FB3];
	_ =	sdelay $0x3  }
0x34: {  	[smem:$0x3FB3] =	sst s10  }
0x35: {  	s10 =	sld [smem:$0x3FB2];
	_ =	sdelay $0x3  }
0x36: {  	p1 =	seq.s32 s10, $0x1;
	s10 =	sld [smem:$0x3FB3];
	_ =	sdelay $0x3  }
0x37: {  	[smem:$0x3FB3] =	sst s10  }
0x38: {  	s10 =	sld [smem:$0x3FB4]  }
0x39: {  	_ = 	snop;
	(pc) =	sbr.ind lr, $3  }
0x3a: {  	_ = 	snop  }
0x3b: {  	_ = 	snop  }
0x3c: {  	p2 =	seq.s32 s10, $0x1;
	s10 =	sld [smem:$0x3FB3]  }
0x3d: {  	_ =	shalt  }
0x3e: {  	_ =	shalt  }
0x3f: {  	_ =	shalt  }
0x40: {  	_ =	shalt  }
0x41: {  	_ =	shalt  }
0x42: {  	_ =	shalt  }
0x43: {  	_ =	shalt  }
0x44: {  	_ =	shalt  }
0x45: {  	_ =	shalt  }
0x46: {  	_ =	shalt  }
0x47: {  	_ =	shalt  }
0x48: {  	_ =	shalt  }
0x49: {  	_ =	shalt  }
0x4a: {  	_ =	shalt  }
0x4b: {  	_ =	shalt  }
0x4c: {  	_ =	shalt  }
0x4d: {  	_ =	shalt  }
0x4e: {  	_ =	shalt  }
0x4f: {  	_ =	shalt  }
0x50: {  	_ =	shalt  }
0x51: {  	_ =	shalt  }
0x52: {  	_ =	shalt  }
0x53: {  	_ =	shalt  }
0x54: {  	_ =	shalt  }
0x55: {  	_ =	shalt  }
0x56: {  	_ =	shalt  }
0x57: {  	_ =	shalt  }
0x58: {  	_ =	shalt  }
0x59: {  	_ =	shalt  }
0x5a: {  	_ =	shalt  }
0x5b: {  	_ =	shalt  }
0x5c: {  	_ =	shalt  }
0x5d: {  	_ =	shalt  }
0x5e: {  	_ =	shalt  }
0x5f: {  	_ =	shalt  }
0x60: {  	_ =	shalt  }
0x61: {  	_ =	shalt  }
0x62: {  	_ =	shalt  }
0x63: {  	_ =	shalt  }
0x64: {  	_ =	shalt  }
0x65: {  	_ =	shalt  }
0x66: {  	_ =	shalt  }
0x67: {  	_ =	shalt  }
0x68: {  	_ =	shalt  }
0x69: {  	_ =	shalt  }
0x6a: {  	_ =	shalt  }
0x6b: {  	_ =	shalt  }
0x6c: {  	_ =	shalt  }
0x6d: {  	_ =	shalt  }
0x6e: {  	_ =	shalt  }
0x6f: {  	_ =	shalt  }
0x70: {  	_ =	shalt  }
0x71: {  	_ =	shalt  }
0x72: {  	_ =	shalt  }
0x73: {  	_ =	shalt  }
0x74: {  	_ =	shalt  }
0x75: {  	_ =	shalt  }
0x76: {  	_ =	shalt  }
0x77: {  	_ =	shalt  }
0x78: {  	_ =	shalt  }
0x79: {  	_ =	shalt  }
0x7a: {  	_ =	shalt  }
0x7b: {  	_ =	shalt  }
0x7c: {  	_ =	shalt  }
0x7d: {  	_ =	shalt  }
0x7e: {  	_ =	shalt  }
0x7f: {  	_ =	shalt  }
0x80: {  	_ =	shalt  }
0x81: {  	_ =	shalt  }
0x82: {  	_ =	shalt  }
0x83: {  	_ =	shalt  }
0x84: {  	_ =	shalt  }
0x85: {  	_ =	shalt  }
0x86: {  	_ =	shalt  }
0x87: {  	_ =	shalt  }
.Lfunc_end0:
.L_simem_size_0:
called_computation_lowered:
.L_overlay_start_0:
0x88: {  	s2 =	sld [smem:$0x3FD9]  }
0x89: {  	s3 =	sld [smem:$0x3FFE];
	_ =	sdelay $0x1  }
0x8a: {  	s1 =	srdreg.scid  }
0x8b: {  	s0 =	sand.u32 $0x1, s1  }
0x8c: {  	s17 =	sshll.u32 s0, $0xA;
	s2 =	sadd.s32 s3, s2  }
0x8d: {  	s2 =	sadd.s32 s2, s17  }
0x8e: {  	[smem:$0x3FBF] =	sst s2  }
0x8f: {  	_ = 	snop  }
0x90: {  	s2 =	sld [smem:$0x3FC9]  }
0x91: {  	s18 =	sld [smem:$0x3FC8]  }
0x92: {  	s4 =	sld [smem:$0x3FC7]  }
0x93: {  	s5 =	sld [smem:$0x3FC6]  }
0x94: {  	s6 =	sld [smem:$0x3FC2]  }
0x95: {  	s7 =	sld [smem:$0x3FC1];
	(tm) =	ssettm $0x1  }
0x96: {  	s8 =	sld [smem:$0x3FFB];
	_ =	sdelay $0x3  }
0x97: {  	_ =	strace s8  }
0x98: {  	s8 =	sld [smem:$0x3FFC];
	_ =	sdelay $0x3  }
0x99: {  	_ =	strace s8  }
0x9a: {  	s8 =	sld [smem:$0x3FFD];
	_ =	sdelay $0x3  }
0x9b: {  	_ =	strace s8  }
0x9c: {  	_ =	strace $0x8FFFFFFF  }
0x9d: {  	s19 =	sld [smem:$0x3FDB];
	_ =	sdelay $0x1  }
0x9e: {  	s9 =	simm.s32 $_scs_section_size  }
0x9f: {  	s10 =	simm.s32 $_size__tile_overlayer_lowered;
	s11 =	simm.s32 $_tile_overlayer_lowered  }
0xa0: {  	s22 =	simm.s32 $0x1BFF;
	s21 =	sshll.u32 s11, $0x1;
	s8 =	sadd.s32 s9, s19  }
0xa1: {  	s12 =	simm.s32 $0x0;
	s20 =	sshll.u32 s10, $0x1;
	s10 =	sadd.s32 s21, s8  }
0xa2: {  	[timem:s12], [sflag:s22] =	dma.local [hbm:s10], s20  }
0xa3: {  	_ =	swait.ge [sflag:s22], s20  }
0xa4: {  	s9 =	ssub.s32 $0x0, s20;
	[sflag:s22] =	ssyncset.done $0x0  }
0xa5: {  	[sflag:s22] =	ssyncadd.s32 s9;
	_ =	sdelay $0x1  }
0xa6: {  	s23 =	simm.s32 $0x1B8B  }
0xa7: {  	_ =	swait.ge [sflag:s23], $0x1  }
0xa8: {  	[sflag:s23] =	ssyncset.done $0x0  }
0xa9: {  	s25 =	simm.s32 $0x1B8E;
	s24 =	sld [smem:$0x3FFE];
	[sflag:s23] =	ssyncadd.s32 $0xFFFFFFFF  }
0xaa: {  	s26 =	simm.s32 $execute0_lowered;
	[smem:$0x3FD2] =	sst s25  }
0xab: {  	s10 =	sshll.u32 s26, $0x1;
	_ =	strace $0x80000046;
	[dreg:$0x1] =	wrdreg $0xFFFFFFFF  }
0xac: {  	s28 =	simm.s32 $_size_execute0_lowered;
	s8 =	sadd.s32 s8, s10;
	[dreg:$0x0] =	wrdreg $0x0  }
0xad: {  	s10 =	sshll.u32 s28, $0x1;
	[dreg:$0x2] =	wrdreg s8  }
0xae: {  	[dreg:$0x3] =	wrdreg s10  }
0xaf: {  	[dreg:$0x4] =	wrdreg $0xC0  }
0xb0: {  	_ =	task [dreg:s12], $0x5FFFF  }
0xb1: {  	[dreg:$0x1] =	wrdreg $0xFFFFFFFF  }
0xb2: {  	[dreg:$0x0] =	wrdreg $0x60  }
0xb3: {  	[dreg:$0x2] =	wrdreg s2  }
0xb4: {  	[dreg:$0x3] =	wrdreg s4  }
0xb5: {  	[dreg:$0x4] =	wrdreg s18  }
0xb6: {  	[dreg:$0x5] =	wrdreg s5  }
0xb7: {  	[dreg:$0x6] =	wrdreg s6  }
0xb8: {  	[dreg:$0x7] =	wrdreg s7  }
0xb9: {  	[dreg:$0x8] =	wrdreg s24  }
0xba: {  	[dreg:$0x9] =	wrdreg $0xD0000  }
0xbb: {  	[dreg:$0xa] =	wrdreg $0xD4000  }
0xbc: {  	[dreg:$0xb] =	wrdreg $0x9  }
0xbd: {  	_ =	task.clear_ibuf [dreg:s12], $0xCFFFF;
	_ =	strace $0x90000046  }
0xbe: {  	s29 =	simm.s32 $0x9;
	_ =	strace $0x80000048  }
0xbf: {  	_ =	swait.ge [sflag:s29], $0x1  }
0xc0: {  	[sflag:s29] =	ssyncadd.s32 $0xFFFFFFFF  }
0xc1: {  	_ =	strace $0x90000048  }
0xc2: {  	_ =	sfence  }
0xc3: {  	s30 =	sld [smem:$0x0];
	_ =	sdelay $0x2  }
0xc4: {  	s31 =	sshll.u32 s1, $0xD;
	s1 =	sshrl.u32 s1, $0x2  }
0xc5: {  	s3 =	sand.u32 $0x4000, s31;
	s1 =	sadd.s32 s1, s30  }
0xc6: {  	s0 =	sor.u32 s3, s0;
	s1 =	sshll.u32 s1, $0x11  }
0xc7: {  	s0 =	sor.u32 s1, s0  }
0xc8: {  	s0 =	sadd.s32 $0x8F2B, s0  }
0xc9: {  	[sflag:s0] =	ssyncadd.remote.s32 $0x1  }
0xca: {  	_ =	sfence.sel $0xFFFF  }
0xcb: {  	[dreg:$0x0] =	wrdreg $0xFFFFFFFF;
	(pc) =	sbr.abs _section_cstart, $3  }
0xcc: {  	[dreg:$0x1] =	wrdreg $0xFFFFFFFF  }
0xcd: {  	_ =	task.clear_ibuf [dreg:s12], $0x2FFFF;
	_ =	strace $0x9FFFFFFF  }
0xce: {  	(tm) =	ssettm $0x7FFFFFFF  }
0xcf: {  	_ =	shalt  }
tec
execute0_lowered:
.L_overlay_start_1:
0x0: {  	(tag) =	ssettag $0x1  }
0x1: {  	s0 =	rddreg [dreg:$0x0]  }
0x2: {  	s1 =	rddreg [dreg:$0x1]  }
0x3: {  	s2 =	rddreg [dreg:$0x2]  }
0x4: {  	s4 =	rddreg [dreg:$0x3]  }
0x5: {  	s10 =	rddreg [dreg:$0x4]  }
0x6: {  	s11 =	rddreg [dreg:$0x5]  }
0x7: {  	s5 =	rddreg [dreg:$0x6]  }
0x8: {  	s12 =	rddreg [dreg:$0x7]  }
0x9: {  	s20 =	rddreg [dreg:$0x8]  }
0xa: {  	s3 =	simm.s32 $0x0;
	s6 =	srdreg.scid;
	s16 =	stileid.u32  }
0xb: {  	s18 =	simm.s32 $0x7000;
	s19 =	simm.s32 $0x8000;
	s22 =	simm.s32 $0x4  }
0xc: {  	s28 =	simm.s32 $0x1000;
	s29 =	simm.s32 $0x1;
	s30 =	simm.s32 $0x2  }
0xd: {  	s31 =	simm.s32 $0x3;
	s17 =	simm.s32 $0x20;
	s21 =	simm.s32 $0x0  }
0xe: {  	[smem:$0x7FF] =	sst s3;
	s6 =	sand.u32 $0x1, s6;
	s13 =	sshll.u32 s16, $0xA  }
0xf: {  	s25 =	sshll.u32 s16, $0x7;
	s26 =	sshll.u32 s16, $0x8;
	s16 =	simm.s32 $0x7  }
0x10: {  	_ =	strace $0x80000047;
	s7 =	sshll.u32 s6, $0x4;
	s8 =	ssub.s32 $0x2, s6  }
0x11: {  	s6 =	sshll.u32 s6, $0xE;
	s9 =	sadd.s32 s0, s25;
	s10 =	sadd.s32 s10, s25  }
0x12: {  	s11 =	sadd.s32 s11, s25;
	s12 =	sadd.s32 s13, s12;
	s14 =	sadd.s32 s7, s5  }
0x13: {  	s23 =	sshrl.u32 s8, $0x1;
	s24 =	sor.u32 s13, s6;
	s13 =	sadd.s32 s13, s20  }
0x14: {  	s15 =	ssub.s32 s8, s23;
	s1 =	sadd.s32 s1, s24;
	s6 =	sadd.s32 s2, s24  }
0x15: {  	s7 =	sadd.s32 s4, s24;
	s0 =	sadd.s32 s26, s14;
	s23 =	simm.s32 $0x5  }
0x16: {  	s24 =	simm.s32 $0x6;
	s26 =	simm.s32 $0x8;
	[dreg:$0xa] =	wrdreg s1  }
0x17: {  	v0 =	vimm.f32 $0.0e+00;
	s8 =	sadd.s32 $0x200, s6;
	s14 =	sadd.s32 $0xA00, s0;
	s15 =	smax.u32 s15, $0x1  }
.LBB2_1:
0x18: {  	s0 =	rddreg [dreg:$0xa];
	s1 =	simm.s32 $0x5000  }
0x19: {  	[tilespmem:s1], [sflag:$0x1] =	stream.linear.gather [hbm4b:s0+s3], $0x2000, $0x38;
	[tilespmem:$0xD800] =	vst v63  }
0x1a: {  	s2 =	simm.s32 $0x9000  }
0x1b: {  	[tilespmem:s2], [sflag:$0x2] =	stream.linear.gather [hbm4b:s7+s3], $0x2000, $0x38;
	[tilespmem:$0xD800] =	vst v63  }
0x1c: {  	_ = 	snop  }
0x1d: {  	[tilespmem:s18], [sflag:$0x3] =	stream.linear.gather [hbm4b:s6+s3], $0x1000, $0x38;
	[tilespmem:$0xD800] =	vst v63  }
0x1e: {  	_ = 	snop  }
0x1f: {  	[tilespmem:s19], [sflag:$0x3] =	stream.linear.gather [hbm4b:s8+s3], $0x1000, $0x38;
	[tilespmem:$0xD800] =	vst v63  }
0x20: {  	_ = 	snop  }
0x21: {  	[tilespmem:s3], [sflag:$0x4] =	stream.linear.gather [hbm4b:s9+s3], $0x400, $0x38;
	[tilespmem:$0xD800] =	vst v63  }
0x22: {  	s4 =	simm.s32 $0x400  }
0x23: {  	[tilespmem:s4], [sflag:$0x5] =	stream.linear.gather [hbm4b:s10+s3], $0x400, $0x38;
	[tilespmem:$0xD800] =	vst v63  }
0x24: {  	s5 =	smov.u32 s20;
	s20 =	simm.s32 $0x800  }
0x25: {  	[tilespmem:s20], [sflag:$0x6] =	stream.linear.gather [hbm4b:s11+s3], $0x400, $0x38;
	[tilespmem:$0xD800] =	vst v63  }
0x26: {  	_ =	swait.ge [sflag:s22], $0x400  }
0x27: {  	[sflag:s22] =	ssyncset.done $0x0  }
0x28: {  	[sflag:s22] =	ssyncadd.s32 $0xFFFFFC00  }
0x29: {  	_ =	swait.ge [sflag:s23], $0x400  }
0x2a: {  	[sflag:s23] =	ssyncset.done $0x0  }
0x2b: {  	[sflag:s23] =	ssyncadd.s32 $0xFFFFFC00  }
0x2c: {  	_ =	swait.ge [sflag:s24], $0x400  }
0x2d: {  	[sflag:s24] =	ssyncset.done $0x0  }
0x2e: {  	s25 =	simm.s32 $0x420;
	[sflag:s24] =	ssyncadd.s32 $0xFFFFFC00  }
0x2f: {  	s0 =	simm.s32 $0x820;
	v8 =	vld [tilespmem:s25+$0x10]  }
0x30: {  	v3 =	vld [tilespmem:s0+$0x10]  }
0x31: {  	v1 =	vld [tilespmem:s25+$0xFFFFFFE0]  }
0x32: {  	v4 =	vld [tilespmem:s17+$0x10]  }
0x33: {  	v6 =	vld [tilespmem:s0+$0xFFFFFFE0]  }
0x34: {  	v2 =	vld [tilespmem:s25+$0xFFFFFFF0]  }
0x35: {  	v9 =	vld [tilespmem:s0+$0xFFFFFFF0];
	v7 =	vsub.f32 v3, v8  }
0x36: {  	v5 =	vld [tilespmem:s0+$0x0]  }
0x37: {  	v3 =	vld [tilespmem:s25+$0x0];
	v10 =	vmul.f32 v7, v4  }
0x38: {  	v7 =	vld [tilespmem:s17+$0xFFFFFFF0]  }
0x39: {  	s1 =	simm.s32 $0x20;
	s2 =	simm.s32 $0x460;
	v4 =	vsub.f32 v6, v1;
	v6 =	vld [tilespmem:s17+$0x0];
	v10 =	vadd.f32 v10, v8  }
0x3a: {  	s4 =	simm.s32 $0x0;
	s20 =	simm.s32 $0x20;
	s25 =	simm.s32 $0xC20;
	v9 =	vsub.f32 v9, v2;
	v8 =	vld [tilespmem:s17+$0xFFFFFFE0]  }
.LBB2_2:
0x3b: {  	v11 =	vld [tilespmem:s2+$0x10];
	[tilespmem:s25+$0x10] =	vst v10;
	s0 =	sadd.s32 $0x40, s0  }
0x3c: {  	v10 =	vld [tilespmem:s0+$0x10];
	v5 =	vsub.f32 v5, v3;
	[tilespmem:s20+$0x10] =	vst v0  }
0x3d: {  	s4 =	sadd.s32 $0x4, s4;
	s20 =	sadd.s32 $0x40, s20;
	v12 =	vld [tilespmem:s2+$0xFFFFFFE0];
	v7 =	vmul.f32 v9, v7  }
0x3e: {  	p0 =	slt.u32 s4, $0x3C;
	v9 =	vld [tilespmem:s20+$0x10];
	v5 =	vmul.f32 v5, v6  }
0x3f: {  	v6 =	vld [tilespmem:s0+$0xFFFFFFE0];
	v4 =	vmul.f32 v4, v8;
	v7 =	vadd.f32 v7, v2  }
0x40: {  	v2 =	vld [tilespmem:s2+$0xFFFFFFF0];
	v8 =	vadd.f32 v5, v3  }
0x41: {  	v13 =	vld [tilespmem:s0+$0xFFFFFFF0];
	v10 =	vsub.f32 v10, v11;
	v4 =	vadd.f32 v4, v1;
	[tilespmem:s25+$0xFFFFFFF0] =	vst v7  }
.Ltmp0:
0x42: {  	v3 =	vld [tilespmem:s2+$0x0];
	[tilespmem:s1+$0xFFFFFFF0] =	vst v0;
	v1 =	vmov v12;
	(pc) =	sbr.rel @p0 .LBB2_2-.Ltmp0, $4  }
0x43: {  	v5 =	vld [tilespmem:s0+$0x0];
	v9 =	vmul.f32 v10, v9;
	[tilespmem:s25+$0xFFFFFFE0] =	vst v4  }
0x44: {  	v4 =	vsub.f32 v6, v1;
	v7 =	vld [tilespmem:s20+$0xFFFFFFF0];
	[tilespmem:s1+$0xFFFFFFE0] =	vst v0  }
0x45: {  	v6 =	vld [tilespmem:s20+$0x0];
	v10 =	vadd.f32 v9, v11;
	[tilespmem:s25+$0x0] =	vst v8  }
0x46: {  	s2 =	sadd.s32 $0x40, s2;
	s25 =	sadd.s32 $0x40, s25;
	v8 =	vld [tilespmem:s20+$0xFFFFFFE0];
	v9 =	vsub.f32 v13, v2;
	[tilespmem:s1+$0x0] =	vst v0;
	s1 =	smov.u32 s20  }
0x47: {  	_ =	sdelay $0x1  }
0x48: {  	v7 =	vmul.f32 v9, v7  }
0x49: {  	v5 =	vsub.f32 v5, v3  }
0x4a: {  	[tilespmem:s25+$0x10] =	vst v10;
	v4 =	vmul.f32 v4, v8;
	v2 =	vadd.f32 v7, v2  }
0x4b: {  	[tilespmem:s20+$0x10] =	vst v0;
	v5 =	vmul.f32 v5, v6  }
0x4c: {  	v1 =	vadd.f32 v4, v1;
	[tilespmem:s25+$0xFFFFFFF0] =	vst v2  }
0x4d: {  	v2 =	vadd.f32 v5, v3;
	[tilespmem:s1+$0xFFFFFFF0] =	vst v0  }
0x4e: {  	[tilespmem:s25+$0xFFFFFFE0] =	vst v1  }
0x4f: {  	[tilespmem:s25+$0x0] =	vst v2  }
0x50: {  	[tilespmem:s1+$0xFFFFFFE0] =	vst v0  }
0x51: {  	s0 =	simm.s32 $0xC00;
	[tilespmem:s1+$0x0] =	vst v0  }
0x52: {  	[spmem:s12] =	stream.linear.scatter [tilespmem:s0], [sflag:$0x8], $0x400, $0x38;
	[tilespmem:$0xD800] =	vst v63  }
0x53: {  	_ =	swait.ge [sflag:s26], $0x400  }
0x54: {  	[sflag:s26] =	ssyncset.done $0x0  }
0x55: {  	[sflag:s26] =	ssyncadd.s32 $0xFFFFFC00  }
0x56: {  	[spmem:s13] =	stream.linear.scatter [tilespmem:s3], [sflag:$0x8], $0x400, $0x38;
	[tilespmem:$0xD800] =	vst v63  }
0x57: {  	_ =	swait.ge [sflag:s26], $0x400  }
0x58: {  	[sflag:s26] =	ssyncset.done $0x0  }
0x59: {  	[sflag:s26] =	ssyncadd.s32 $0xFFFFFC00  }
0x5a: {  	[bflag:$0x0] =	sbarrier.arrive $0xFFFF  }
0x5b: {  	s2 =	rddreg [dreg:$0x7]  }
0x5c: {  	[tilespmem:s28], [sflag:$0x8] =	stream.linear.gather [spmem:s2], $0x4000, $0x38;
	[tilespmem:$0xD800] =	vst v63  }
0x5d: {  	_ =	swait.ge [sflag:s26], $0x4000  }
0x5e: {  	[sflag:s26] =	ssyncset.done $0x0  }
0x5f: {  	[sflag:s26] =	ssyncadd.s32 $0xFFFFC000  }
0x60: {  	_ =	swait.ge [sflag:s29], $0x2000  }
0x61: {  	[sflag:s29] =	ssyncset.done $0x0  }
0x62: {  	[sflag:s29] =	ssyncadd.s32 $0xFFFFE000  }
0x63: {  	_ =	swait.ge [sflag:s30], $0x2000  }
0x64: {  	[sflag:s30] =	ssyncset.done $0x0  }
0x65: {  	[sflag:s30] =	ssyncadd.s32 $0xFFFFE000  }
0x66: {  	_ =	swait.ge [sflag:s31], $0x1000  }
0x67: {  	[sflag:s31] =	ssyncset.done $0x0  }
0x68: {  	[sflag:s31] =	ssyncadd.s32 $0xFFFFF000  }
0x69: {  	_ =	swait.ge [sflag:s31], $0x1000  }
0x6a: {  	[sflag:s31] =	ssyncset.done $0x0  }
0x6b: {  	s4 =	simm.s32 $0x5020;
	[sflag:s31] =	ssyncadd.s32 $0xFFFFF000  }
0x6c: {  	v1 =	vld [tilespmem:s4+$0x10]  }
0x6d: {  	v2 =	vld [tilespmem:s4+$0xFFFFFFF0]  }
0x6e: {  	v3 =	vld [tilespmem:s4+$0xFFFFFFE0]  }
0x6f: {  	s20 =	simm.s32 $0x9020;
	v4 =	vld [tilespmem:s4+$0x0]  }
0x70: {  	s25 =	simm.s32 $0x5060;
	v7 =	vld [tilespmem:s20+$0x10]  }
0x71: {  	v5 =	vld [tilespmem:s25+$0x10]  }
0x72: {  	v10 =	vld [tilespmem:s25+$0xFFFFFFF0]  }
0x73: {  	v11 =	vld [tilespmem:s25+$0xFFFFFFE0]  }
0x74: {  	v12 =	vld [tilespmem:s20+$0xFFFFFFE0]  }
0x75: {  	v13 =	vld [tilespmem:s20+$0xFFFFFFF0]  }
0x76: {  	v6 =	vld [tilespmem:s20+$0x0]  }
0x77: {  	v1 =	vld.idx.msk [tilespmem:v1+s28+$0x0], $0xffff  }
0x78: {  	v9 =	vld.idx.msk [tilespmem:v2+s28+$0x0], $0xffff  }
0x79: {  	v8 =	vld.idx.msk [tilespmem:v3+s28+$0x0], $0xffff  }
0x7a: {  	v2 =	vld [tilespmem:s25+$0x0]  }
0x7b: {  	v3 =	vld.idx.msk [tilespmem:v4+s28+$0x0], $0xffff  }
0x7c: {  	s1 =	simm.s32 $0x9060;
	v5 =	vld.idx.msk [tilespmem:v5+s28+$0x0], $0xffff  }
0x7d: {  	v1 =	vmul.f32 v7, v1;
	v7 =	vld [tilespmem:s1+$0x10]  }
0x7e: {  	s0 =	simm.s32 $0xB020;
	v4 =	vld.idx.msk [tilespmem:v10+s28+$0x0], $0xffff;
	v8 =	vmul.f32 v12, v8  }
0x7f: {  	s2 =	simm.s32 $0x4;
	s4 =	simm.s32 $0x50A0;
	v9 =	vmul.f32 v13, v9;
	[tilespmem:s0+$0x10] =	vst v1;
	v1 =	vld.idx.msk [tilespmem:v11+s28+$0x0], $0xffff  }
.LBB2_4:
0x80: {  	v10 =	vld [tilespmem:s4+$0x10];
	s2 =	sadd.s32 $0x4, s2;
	[tilespmem:s0+$0xFFFFFFE0] =	vst v8;
	v3 =	vmul.f32 v6, v3  }
0x81: {  	v8 =	vld [tilespmem:s4+$0xFFFFFFF0];
	p0 =	slt.u32 s2, $0xFC;
	[tilespmem:s0+$0xFFFFFFF0] =	vst v9  }
0x82: {  	v9 =	vld [tilespmem:s4+$0x0];
	v5 =	vmul.f32 v7, v5;
	[tilespmem:s0+$0x0] =	vst v3  }
0x83: {  	s0 =	sadd.s32 $0x40, s0;
	v11 =	vld [tilespmem:s4+$0xFFFFFFE0]  }
0x84: {  	v12 =	vmov v4;
	v3 =	vld.idx.msk [tilespmem:v2+s28+$0x0], $0xffff;
	[tilespmem:s0+$0x10] =	vst v5  }
0x85: {  	v13 =	vld [tilespmem:s1+$0xFFFFFFE0]  }
0x86: {  	v14 =	vld [tilespmem:s1+$0xFFFFFFF0]  }
.Ltmp1:
0x87: {  	v6 =	vld [tilespmem:s1+$0x0];
	v2 =	vmov v9;
	(pc) =	sbr.rel @p0 .LBB2_4-.Ltmp1, $4  }
0x88: {  	s1 =	sadd.s32 $0x40, s1;
	v5 =	vld.idx.msk [tilespmem:v10+s28+$0x0], $0xffff  }
0x89: {  	v7 =	vld [tilespmem:s1+$0x10]  }
0x8a: {  	v4 =	vld.idx.msk [tilespmem:v8+s28+$0x0], $0xffff;
	v8 =	vmul.f32 v13, v1  }
0x8b: {  	s4 =	sadd.s32 $0x40, s4;
	v1 =	vld.idx.msk [tilespmem:v11+s28+$0x0], $0xffff;
	v9 =	vmul.f32 v14, v12  }
0x8c: {  	_ =	sdelay $0x3  }
0x8d: {  	v2 =	vld.idx.msk [tilespmem:v2+s28+$0x0], $0xffff  }
0x8e: {  	v10 =	vld [tilespmem:s1+$0xFFFFFFE0]  }
0x8f: {  	v11 =	vld [tilespmem:s1+$0xFFFFFFF0]  }
0x90: {  	v12 =	vld [tilespmem:s1+$0x0]  }
0x91: {  	[tilespmem:s0+$0xFFFFFFE0] =	vst v8;
	v3 =	vmul.f32 v6, v3  }
0x92: {  	[tilespmem:s0+$0xFFFFFFF0] =	vst v9;
	v5 =	vmul.f32 v7, v5  }
0x93: {  	s1 =	sadd.s32 $0x40, s0;
	[tilespmem:s0+$0x0] =	vst v3;
	v1 =	vmul.f32 v10, v1  }
0x94: {  	[tilespmem:s1+$0x10] =	vst v5;
	v3 =	vmul.f32 v11, v4  }
0x95: {  	[tilespmem:s1+$0xFFFFFFE0] =	vst v1;
	v1 =	vmul.f32 v12, v2  }
0x96: {  	[tilespmem:s1+$0xFFFFFFF0] =	vst v3  }
0x97: {  	s2 =	simm.s32 $0xB000;
	s4 =	simm.s32 $0x6030;
	[tilespmem:s1+$0x0] =	vst v1  }
0x98: {  	[spmem:s5] =	stream.indirect.scatter.add.f32 [tilespmem:s2], [sflag:$0x7], $0x1, s18, s28, $0xb8;
	[tilespmem:$0xD800] =	vst v63  }
0x99: {  	v1 =	vld [tilespmem:s4+$0x0]  }
0x9a: {  	v2 =	vld [tilespmem:s4+$0xFFFFFFE0]  }
0x9b: {  	v3 =	vld [tilespmem:s4+$0xFFFFFFD0]  }
0x9c: {  	s20 =	smov.u32 s5;
	s5 =	simm.s32 $0xA030;
	v4 =	vld [tilespmem:s4+$0xFFFFFFF0]  }
0x9d: {  	s25 =	simm.s32 $0x6070;
	v7 =	vld [tilespmem:s5+$0x0]  }
0x9e: {  	v5 =	vld [tilespmem:s25+$0x0]  }
0x9f: {  	v10 =	vld [tilespmem:s25+$0xFFFFFFE0]  }
0xa0: {  	v11 =	vld [tilespmem:s25+$0xFFFFFFD0]  }
0xa1: {  	v63 =	vld [tilespmem:s5+$0xFFFFFFD0]  }
0xa2: {  	v13 =	vld [tilespmem:s5+$0xFFFFFFE0]  }
0xa3: {  	v6 =	vld [tilespmem:s5+$0xFFFFFFF0]  }
0xa4: {  	v1 =	vld.idx.msk [tilespmem:v1+s28+$0x0], $0xffff  }
0xa5: {  	v9 =	vld.idx.msk [tilespmem:v2+s28+$0x0], $0xffff  }
0xa6: {  	v8 =	vld.idx.msk [tilespmem:v3+s28+$0x0], $0xffff  }
0xa7: {  	v2 =	vld [tilespmem:s25+$0xFFFFFFF0]  }
0xa8: {  	v3 =	vld.idx.msk [tilespmem:v4+s28+$0x0], $0xffff  }
0xa9: {  	s1 =	simm.s32 $0xA070;
	v5 =	vld.idx.msk [tilespmem:v5+s28+$0x0], $0xffff  }
0xaa: {  	v1 =	vmul.f32 v7, v1;
	v7 =	vld [tilespmem:s1+$0x0]  }
0xab: {  	s0 =	simm.s32 $0xC020;
	v4 =	vld.idx.msk [tilespmem:v10+s28+$0x0], $0xffff;
	v8 =	vmul.f32 v63, v8  }
0xac: {  	s2 =	simm.s32 $0x4;
	s4 =	simm.s32 $0x60B0;
	v9 =	vmul.f32 v13, v9;
	[tilespmem:s0+$0x10] =	vst v1;
	v1 =	vld.idx.msk [tilespmem:v11+s28+$0x0], $0xffff  }
.LBB2_6:
0xad: {  	v10 =	vld [tilespmem:s4+$0x0];
	s2 =	sadd.s32 $0x4, s2;
	[tilespmem:s0+$0xFFFFFFE0] =	vst v8;
	v3 =	vmul.f32 v6, v3  }
0xae: {  	v8 =	vld [tilespmem:s4+$0xFFFFFFE0];
	p0 =	slt.u32 s2, $0xFC;
	[tilespmem:s0+$0xFFFFFFF0] =	vst v9  }
0xaf: {  	v9 =	vld [tilespmem:s4+$0xFFFFFFF0];
	v5 =	vmul.f32 v7, v5;
	[tilespmem:s0+$0x0] =	vst v3  }
0xb0: {  	s0 =	sadd.s32 $0x40, s0;
	v11 =	vld [tilespmem:s4+$0xFFFFFFD0]  }
0xb1: {  	v12 =	vmov v4;
	v3 =	vld.idx.msk [tilespmem:v2+s28+$0x0], $0xffff;
	[tilespmem:s0+$0x10] =	vst v5  }
0xb2: {  	v13 =	vld [tilespmem:s1+$0xFFFFFFD0]  }
0xb3: {  	v14 =	vld [tilespmem:s1+$0xFFFFFFE0]  }
.Ltmp2:
0xb4: {  	v6 =	vld [tilespmem:s1+$0xFFFFFFF0];
	v2 =	vmov v9;
	(pc) =	sbr.rel @p0 .LBB2_6-.Ltmp2, $4  }
0xb5: {  	s1 =	sadd.s32 $0x40, s1;
	v5 =	vld.idx.msk [tilespmem:v10+s28+$0x0], $0xffff  }
0xb6: {  	v7 =	vld [tilespmem:s1+$0x0]  }
0xb7: {  	v4 =	vld.idx.msk [tilespmem:v8+s28+$0x0], $0xffff;
	v8 =	vmul.f32 v13, v1  }
0xb8: {  	s4 =	sadd.s32 $0x40, s4;
	v1 =	vld.idx.msk [tilespmem:v11+s28+$0x0], $0xffff;
	v9 =	vmul.f32 v14, v12  }
0xb9: {  	_ =	sdelay $0x3  }
0xba: {  	v2 =	vld.idx.msk [tilespmem:v2+s28+$0x0], $0xffff  }
0xbb: {  	v10 =	vld [tilespmem:s1+$0xFFFFFFD0]  }
0xbc: {  	v11 =	vld [tilespmem:s1+$0xFFFFFFE0]  }
0xbd: {  	v12 =	vld [tilespmem:s1+$0xFFFFFFF0]  }
0xbe: {  	[tilespmem:s0+$0xFFFFFFE0] =	vst v8;
	v3 =	vmul.f32 v6, v3  }
0xbf: {  	[tilespmem:s0+$0xFFFFFFF0] =	vst v9;
	v5 =	vmul.f32 v7, v5  }
0xc0: {  	s2 =	sadd.s32 $0x40, s0;
	[tilespmem:s0+$0x0] =	vst v3;
	v1 =	vmul.f32 v10, v1  }
0xc1: {  	[tilespmem:s2+$0x10] =	vst v5;
	v3 =	vmul.f32 v11, v4  }
0xc2: {  	[tilespmem:s2+$0xFFFFFFE0] =	vst v1;
	v1 =	vmul.f32 v12, v2  }
0xc3: {  	[tilespmem:s2+$0xFFFFFFF0] =	vst v3  }
0xc4: {  	s4 =	simm.s32 $0xC000;
	[tilespmem:s2+$0x0] =	vst v1  }
0xc5: {  	[spmem:s20] =	stream.indirect.scatter.add.f32 [tilespmem:s4], [sflag:$0x7], $0x1, s19, s28, $0xb8;
	[tilespmem:$0xD800] =	vst v63  }
0xc6: {  	_ =	swait.ge [sflag:s16], $0x1000  }
0xc7: {  	[sflag:s16] =	ssyncset.done $0x0  }
0xc8: {  	[sflag:s16] =	ssyncadd.s32 $0xFFFFF000  }
0xc9: {  	s5 =	stileid.u32;
	s25 =	sshrl.u32 s13, $0x3;
	_ =	swait.ge [sflag:s16], $0x1000  }
0xca: {  	s21 =	sadd.s32 $0x1, s21;
	s0 =	sshll.u32 s5, $0x6;
	[sflag:s16] =	ssyncset.done $0x0  }
0xcb: {  	p0 =	sne.s32 s21, s15;
	s0 =	sor.u32 $0x1C08, s0;
	[sflag:s16] =	ssyncadd.s32 $0xFFFFF000  }
.Ltmp3:
0xcc: {  	s2 =	simm.s32 $0x10;
	[bflag:$0x0] =	sbarrier.arrive $0xFFFF;
	(pc) =	sbr.rel @p0 .LBB2_1-.Ltmp3, $4  }
0xcd: {  	[hbm:s14@s17], [sflag:s0] =	dma.strided [spmem:s25@s2], $0x80, s29, $0x10   }
0xce: {  	_ =	swait.ge [sflag:s26], $0x80  }
0xcf: {  	[sflag:s26] =	ssyncset.done $0x0  }
0xd0: {  	[sflag:s26] =	ssyncadd.s32 $0xFFFFFF80  }
0xd1: {  	_ =	sfence.sel $0x180000  }
0xd2: {  	[bflag:$0x0] =	sbarrier.arrive $0xFFFF  }
0xd3: {  	_ =	strace $0x90000047  }
0xd4: {  	s0 =	stileid.u32;
	[bflag:$0x2] =	sbarrier.arrive $0xFFFF  }
0xd5: {  	p0 =	sne.s32 s0, $0x0;
	s0 =	rddreg [dreg:$0x9]  }
0xd6: {  	s0 =	sadd.s32 @!p0 $0x100000, s0  }
0xd7: {  	[sflag:s0] =	ssyncadd.tile.s32 @!p0 $0x1;
	_ =	shalt  }
.Lfunc_end2:
_tile_overlayer_lowered:
.L_overlay_start_2:
0xd8: {  	(tag) =	ssettag $0x2  }
0xd9: {  	s0 =	rddreg [dreg:$0x0];
	s2 =	stileid.u32  }
0xda: {  	s1 =	rddreg [dreg:$0x1];
	p0 =	sne.s32 s2, $0x0  }
0xdb: {  	s3 =	rddreg [dreg:$0x2];
	[bflag:$0x3] =	sbarrier.arrive $0xFFFF;
	s2 =	simm.s32 @!p0 $0x1C08  }
0xdc: {  	[timem:s3], [sflag:s2] =	dma.local @!p0 [hbm:s0], s1  }
0xdd: {  	s0 =	simm.s32 @!p0 $0x8  }
0xde: {  	_ =	swait.ge @!p0 [sflag:s0], s1  }
0xdf: {  	s1 =	ssub.s32 @!p0 $0x0, s1;
	[sflag:s0] =	ssyncset.done @!p0 $0x0  }
0xe0: {  	[sflag:s0] =	ssyncadd.s32 @!p0 s1  }
0xe1: {  	[bflag:$0x3] =	sbarrier.arrive $0xFFFF  }
0xe2: {  	_ =	shalt  }

</sc_bundles>
